<compile_context>
chip_gen: v7x
topology: tpu7x:2x2x1
jax: 0.10.2.dev20260603
libtpu: 0.0.44.dev20260713+nightly
codegen_flags: <defaults>
</compile_context>

<pallas_src>
import functools

import jax
import jax.numpy as jnp
from jax import lax
from jax.experimental import pallas as pl
from jax.experimental.pallas import tpu as pltpu
from jax.experimental.pallas import tpu_sc as plsc

VOCAB = 100000
EMBED = 20
TOK = 9
B = 1024
H = 500

NC, NS = 2, 16
NW = NC * NS
N_IDX = B * TOK
ROWS_PER_W = N_IDX // NW

VT = 3584
GRID = pl.cdiv(VOCAB, VT)


L = 16
OUT_PER_W = ROWS_PER_W * EMBED
ICHUNK = 128
N_ICHUNK = OUT_PER_W // ICHUNK


def _sc_gather(idx_hbm, table_hbm, out_hbm, idx_v, widx, out_v, sem):
    wid = lax.axis_index("s") * NC + lax.axis_index("c")
    base = wid * ROWS_PER_W

    pltpu.sync_copy(idx_hbm.at[pl.ds(base, ROWS_PER_W)], idx_v)

    def build_chunk(j, _):
        for s in range(ICHUNK // L):
            p = j * ICHUNK + s * L + lax.iota(jnp.int32, L)
            r = lax.div(p, EMBED)
            e = lax.rem(p, EMBED)
            wi = plsc.load_gather(idx_v, [r]) + e * VOCAB
            widx[j, pl.ds(s * L, L)] = wi
        pltpu.async_copy(table_hbm.at[widx.at[j]],
                         out_v.at[pl.ds(j * ICHUNK, ICHUNK)], sem)
        return ()

    lax.fori_loop(0, N_ICHUNK, build_chunk, ())
    pltpu.make_async_copy(out_hbm.at[pl.ds(wid * OUT_PER_W, OUT_PER_W)],
                          out_v, sem).wait()

    pltpu.sync_copy(out_v, out_hbm.at[pl.ds(wid * OUT_PER_W, OUT_PER_W)])


@functools.lru_cache(maxsize=1)
def _gather_call():
    return pl.kernel(
        _sc_gather,
        mesh=plsc.VectorSubcoreMesh(core_axis_name="c", subcore_axis_name="s"),
        out_type=jax.ShapeDtypeStruct((N_IDX * EMBED,), jnp.float32),
        scratch_types=[
            pltpu.VMEM((ROWS_PER_W,), jnp.int32),
            pltpu.VMEM((N_ICHUNK, ICHUNK), jnp.int32),
            pltpu.VMEM((OUT_PER_W,), jnp.float32),
            pltpu.SemaphoreType.DMA,
        ],
        compiler_params=pltpu.CompilerParams(needs_layout_passes=False),
    )


def _mlp_proj(h0_ref, W1_ref, b1_ref, W2_ref, b2_ref, W3_ref, b3_ref,
              outT_ref, h_scr):
    @pl.when(pl.program_id(0) == 0)
    def _():
        h = jnp.dot(h0_ref[...], W1_ref[...],
                    preferred_element_type=jnp.float32) + b1_ref[...]
        h = jnp.maximum(h, 0.0)
        for _ in range(6):
            h = jnp.dot(h, W2_ref[...],
                        preferred_element_type=jnp.float32) + b2_ref[...]
            h = jnp.maximum(h, 0.0)
        h_scr[...] = h.astype(jnp.bfloat16)

    outT = lax.dot_general(W3_ref[...].astype(jnp.bfloat16), h_scr[...],
                           (((0,), (1,)), ((), ())),
                           preferred_element_type=jnp.float32)
    ones = jnp.ones((1, B), dtype=jnp.float32)
    outT_ref[...] = outT + lax.dot_general(
        b3_ref[...], ones, (((0,), (0,)), ((), ())),
        preferred_element_type=jnp.float32)


def _tc_call(h0, W1, b1, W2, b2, W3, b3):
    return pl.pallas_call(
        _mlp_proj,
        grid=(GRID,),
        in_specs=[
            pl.BlockSpec((B, TOK * EMBED), lambda j: (0, 0)),
            pl.BlockSpec((TOK * EMBED, H), lambda j: (0, 0)),
            pl.BlockSpec((1, H), lambda j: (0, 0)),
            pl.BlockSpec((H, H), lambda j: (0, 0)),
            pl.BlockSpec((1, H), lambda j: (0, 0)),
            pl.BlockSpec((H, VT), lambda j: (0, j)),
            pl.BlockSpec((1, VT), lambda j: (0, j)),
        ],
        out_specs=pl.BlockSpec((VT, B), lambda j: (j, 0)),
        out_shape=jax.ShapeDtypeStruct((VOCAB, B), jnp.float32),
        scratch_shapes=[pltpu.VMEM((B, H), jnp.bfloat16)],
        compiler_params=pltpu.CompilerParams(
            dimension_semantics=("arbitrary",),
            vmem_limit_bytes=63 * 1024 * 1024),
    )(h0, W1, b1, W2, b2, W3, b3)


def kernel(x, emb, W1, b1, W2, b2, W3, b3):
    idx = x.reshape(-1).astype(jnp.int32)
    table = emb.T.reshape(-1)
    rows = _gather_call()(idx, table)
    h0 = rows.reshape(B, TOK * EMBED)
    outT = _tc_call(h0, W1, b1.reshape(1, H), W2, b2.reshape(1, H),
                    W3, b3.reshape(1, VOCAB))
    return outT.T

# --- scband reference (transcript-rebuilt; emitter-appended) ---
"""Pipeline reference for scband-net-3882650437086 (READ-ONLY COPY).

The authoritative reference and input builder live on the scoring server;
editing this copy changes nothing except your own understanding.
"""

import jax, jax.numpy as jnp
import numpy as np

VOCAB = 100000
EMBED = 20
TOK = 9
B = 1024
H = 500

def setup_inputs(seed: int = 0) -> dict:
    key = jax.random.key(seed)
    ks = jax.random.split(key, 9)
    x = jax.random.randint(ks[0], (B, TOK), 0, VOCAB)
    emb = jax.random.normal(ks[1], (VOCAB, EMBED), dtype=jnp.float32) * 0.02
    W1 = jax.random.normal(ks[2], (TOK * EMBED, H), dtype=jnp.float32) * 0.05
    b1 = jnp.zeros((H,), dtype=jnp.float32)
    W2 = jax.random.normal(ks[3], (H, H), dtype=jnp.float32) * 0.04
    b2 = jnp.zeros((H,), dtype=jnp.float32)
    W3 = jax.random.normal(ks[4], (H, VOCAB), dtype=jnp.float32) * 0.01
    b3 = jnp.zeros((VOCAB,), dtype=jnp.float32)
    return {"x": x, "emb": emb, "W1": W1, "b1": b1, "W2": W2, "b2": b2, "W3": W3, "b3": b3}

def reference(x, emb, W1, b1, W2, b2, W3, b3):
    # embedding lookup (gather)
    h = jnp.take(emb, x, axis=0)              # [B, TOK, EMBED]
    h = h.reshape(x.shape[0], -1)             # flatten -> [B, TOK*EMBED]
    h = jax.nn.relu(h @ W1 + b1)              # f1 + relu
    # f2 applied once, then 5 more times in the loop (shared weights), each followed by relu
    for _ in range(6):
        h = jax.nn.relu(h @ W2 + b2)
    out = h @ W3 + b3                          # f3
    return out

if __name__ == "__main__":
    import jax
    _d = setup_inputs()
    print(jax.jit(kernel)(*tuple(_d.values())))

</pallas_src>

<mosaic_0001>
#map = affine_map<(d0, d1) -> (0)>
module attributes {stable_mosaic.version = 14 : i64} {
  func.func @_sc_gather(%arg0: i32, %arg1: i32, %arg2: memref<9216xi32, #tpu.memory_space<hbm>>, %arg3: memref<2000000xf32, #tpu.memory_space<hbm>>, %arg4: memref<184320xf32, #tpu.memory_space<hbm>>, %arg5: memref<288xi32, #tpu.memory_space<vmem>>, %arg6: memref<45x128xi32, #tpu.memory_space<vmem>>, %arg7: memref<5760xf32, #tpu.memory_space<vmem>>, %arg8: memref<!tpu.dma_semaphore, #tpu.memory_space<semaphore_mem>>) attributes {dimension_semantics = [#tpu.dimension_semantics<core_parallel>, #tpu.dimension_semantics<subcore_parallel>], iteration_bounds = array<i64: 2, 16>, scalar_prefetch = 0 : i64, scratch_operands = 4 : i64, tpu.core_type = #tpu.core_type<sc_vector_subcore>, window_params = [{transform_indices = #map}, {transform_indices = #map}, {transform_indices = #map}]} {
    %mul3A = arith.constant 2 : i32
    %mul3A_0 = arith.muli %arg1, %mul3A : i32
    %add3A = arith.addi %mul3A_0, %arg0 : i32
    %mul3A_1 = arith.constant 288 : i32
    %mul3A_2 = arith.muli %add3A, %mul3A_1 : i32
    "tpu.region"() ({
      %run_scoped3A = tpu.sem_alloc : memref<!tpu.dma_semaphore, #tpu.memory_space<semaphore_mem>>
      %dma_start3A = tpu.memref_slice %arg2[%mul3A_2] : memref<9216xi32, #tpu.memory_space<hbm>> -> memref<288xi32, #tpu.memory_space<hbm>>
      %dma_start3A_12 = tpu.memref_slice %arg2[%mul3A_2] : memref<9216xi32, #tpu.memory_space<hbm>> -> memref<288xi32, #tpu.memory_space<hbm>>
      tpu.enqueue_dma source(%dma_start3A_12 : memref<288xi32, #tpu.memory_space<hbm>>) target(%arg5 : memref<288xi32, #tpu.memory_space<vmem>>) target_semaphore(%run_scoped3A : memref<!tpu.dma_semaphore, #tpu.memory_space<semaphore_mem>>)
      %dma_wait3A_13 = tpu.memref_slice %arg2[%mul3A_2] : memref<9216xi32, #tpu.memory_space<hbm>> -> memref<288xi32, #tpu.memory_space<hbm>>
      %dma_wait3A_14 = tpu.memref_slice %arg2[%mul3A_2] : memref<9216xi32, #tpu.memory_space<hbm>> -> memref<288xi32, #tpu.memory_space<hbm>>
      tpu.wait_dma2 semaphore(%run_scoped3A : memref<!tpu.dma_semaphore, #tpu.memory_space<semaphore_mem>>) src(%dma_wait3A_14 : memref<288xi32, #tpu.memory_space<hbm>>) dst(%arg5 : memref<288xi32, #tpu.memory_space<vmem>>)
      tpu.yield
    }) : () -> ()
    %scan3A = arith.constant 0 : i32
    %scan3A_3 = arith.constant 45 : i32
    %scan3A_4 = arith.addi %scan3A, %scan3A_3 : i32
    %scan3A_5 = arith.constant 1 : i32
    scf.for %scan3A_12 = %scan3A to %scan3A_4 step %scan3A_5  : i32 {
      %mul3A_13 = arith.constant 128 : i32
      %mul3A_14 = arith.muli %scan3A_12, %mul3A_13 : i32
      %add3A_15 = arith.constant 0 : i32
      %add3A_16 = arith.addi %mul3A_14, %add3A_15 : i32
      %iota3A = tpu.iota {dimensions = array<i32: 0>} : vector<16xi32>
      %add3A_17 = vector.broadcast %add3A_16 : i32 to vector<16xi32>
      %add3A_18 = arith.addi %add3A_17, %iota3A : vector<16xi32>
      %div3A = arith.constant 20 : i32
      %div3A_19 = vector.broadcast %div3A : i32 to vector<16xi32>
      %div3A_20 = arith.divsi %add3A_18, %div3A_19 : vector<16xi32>
      %rem3A = arith.constant 20 : i32
      %rem3A_21 = vector.broadcast %rem3A : i32 to vector<16xi32>
      %rem3A_22 = arith.remsi %add3A_18, %rem3A_21 : vector<16xi32>
      %gather3A = tpu.vector_load_idx %arg5[%div3A_20] : memref<288xi32, #tpu.memory_space<vmem>>[vector<16xi32>], vector<16xi32>,
      %mul3A_23 = arith.constant 100000 : i32
      %mul3A_24 = vector.broadcast %mul3A_23 : i32 to vector<16xi32>
      %mul3A_25 = arith.muli %rem3A_22, %mul3A_24 : vector<16xi32>
      %add3A_26 = arith.addi %gather3A, %mul3A_25 : vector<16xi32>
      %swap3A = arith.index_cast %scan3A_12 : i32 to index
      %swap3A_27 = arith.constant 0 : index
      %swap3A_28 = tpu.vector_load %arg6[%swap3A, %swap3A_27] {strides = array<i32>} : memref<45x128xi32, #tpu.memory_space<vmem>>, vector<16xi32>,
      tpu.vector_store %arg6[%swap3A, %swap3A_27], %add3A_26 {strides = array<i32>} : memref<45x128xi32, #tpu.memory_space<vmem>>, vector<16xi32>,
      %mul3A_29 = arith.constant 128 : i32
      %mul3A_30 = arith.muli %scan3A_12, %mul3A_29 : i32
      %add3A_31 = arith.constant 16 : i32
      %add3A_32 = arith.addi %mul3A_30, %add3A_31 : i32
      %iota3A_33 = tpu.iota {dimensions = array<i32: 0>} : vector<16xi32>
      %add3A_34 = vector.broadcast %add3A_32 : i32 to vector<16xi32>
      %add3A_35 = arith.addi %add3A_34, %iota3A_33 : vector<16xi32>
      %div3A_36 = arith.constant 20 : i32
      %div3A_37 = vector.broadcast %div3A_36 : i32 to vector<16xi32>
      %div3A_38 = arith.divsi %add3A_35, %div3A_37 : vector<16xi32>
      %rem3A_39 = arith.constant 20 : i32
      %rem3A_40 = vector.broadcast %rem3A_39 : i32 to vector<16xi32>
      %rem3A_41 = arith.remsi %add3A_35, %rem3A_40 : vector<16xi32>
      %gather3A_42 = tpu.vector_load_idx %arg5[%div3A_38] : memref<288xi32, #tpu.memory_space<vmem>>[vector<16xi32>], vector<16xi32>,
      %mul3A_43 = arith.constant 100000 : i32
      %mul3A_44 = vector.broadcast %mul3A_43 : i32 to vector<16xi32>
      %mul3A_45 = arith.muli %rem3A_41, %mul3A_44 : vector<16xi32>
      %add3A_46 = arith.addi %gather3A_42, %mul3A_45 : vector<16xi32>
      %swap3A_47 = arith.index_cast %scan3A_12 : i32 to index
      %swap3A_48 = arith.constant 16 : index
      %swap3A_49 = tpu.vector_load %arg6[%swap3A_47, %swap3A_48] {strides = array<i32>} : memref<45x128xi32, #tpu.memory_space<vmem>>, vector<16xi32>,
      tpu.vector_store %arg6[%swap3A_47, %swap3A_48], %add3A_46 {strides = array<i32>} : memref<45x128xi32, #tpu.memory_space<vmem>>, vector<16xi32>,
      %mul3A_50 = arith.constant 128 : i32
      %mul3A_51 = arith.muli %scan3A_12, %mul3A_50 : i32
      %add3A_52 = arith.constant 32 : i32
      %add3A_53 = arith.addi %mul3A_51, %add3A_52 : i32
      %iota3A_54 = tpu.iota {dimensions = array<i32: 0>} : vector<16xi32>
      %add3A_55 = vector.broadcast %add3A_53 : i32 to vector<16xi32>
      %add3A_56 = arith.addi %add3A_55, %iota3A_54 : vector<16xi32>
      %div3A_57 = arith.constant 20 : i32
      %div3A_58 = vector.broadcast %div3A_57 : i32 to vector<16xi32>
      %div3A_59 = arith.divsi %add3A_56, %div3A_58 : vector<16xi32>
      %rem3A_60 = arith.constant 20 : i32
      %rem3A_61 = vector.broadcast %rem3A_60 : i32 to vector<16xi32>
      %rem3A_62 = arith.remsi %add3A_56, %rem3A_61 : vector<16xi32>
      %gather3A_63 = tpu.vector_load_idx %arg5[%div3A_59] : memref<288xi32, #tpu.memory_space<vmem>>[vector<16xi32>], vector<16xi32>,
      %mul3A_64 = arith.constant 100000 : i32
      %mul3A_65 = vector.broadcast %mul3A_64 : i32 to vector<16xi32>
      %mul3A_66 = arith.muli %rem3A_62, %mul3A_65 : vector<16xi32>
      %add3A_67 = arith.addi %gather3A_63, %mul3A_66 : vector<16xi32>
      %swap3A_68 = arith.index_cast %scan3A_12 : i32 to index
      %swap3A_69 = arith.constant 32 : index
      %swap3A_70 = tpu.vector_load %arg6[%swap3A_68, %swap3A_69] {strides = array<i32>} : memref<45x128xi32, #tpu.memory_space<vmem>>, vector<16xi32>,
      tpu.vector_store %arg6[%swap3A_68, %swap3A_69], %add3A_67 {strides = array<i32>} : memref<45x128xi32, #tpu.memory_space<vmem>>, vector<16xi32>,
      %mul3A_71 = arith.constant 128 : i32
      %mul3A_72 = arith.muli %scan3A_12, %mul3A_71 : i32
      %add3A_73 = arith.constant 48 : i32
      %add3A_74 = arith.addi %mul3A_72, %add3A_73 : i32
      %iota3A_75 = tpu.iota {dimensions = array<i32: 0>} : vector<16xi32>
      %add3A_76 = vector.broadcast %add3A_74 : i32 to vector<16xi32>
      %add3A_77 = arith.addi %add3A_76, %iota3A_75 : vector<16xi32>
      %div3A_78 = arith.constant 20 : i32
      %div3A_79 = vector.broadcast %div3A_78 : i32 to vector<16xi32>
      %div3A_80 = arith.divsi %add3A_77, %div3A_79 : vector<16xi32>
      %rem3A_81 = arith.constant 20 : i32
      %rem3A_82 = vector.broadcast %rem3A_81 : i32 to vector<16xi32>
      %rem3A_83 = arith.remsi %add3A_77, %rem3A_82 : vector<16xi32>
      %gather3A_84 = tpu.vector_load_idx %arg5[%div3A_80] : memref<288xi32, #tpu.memory_space<vmem>>[vector<16xi32>], vector<16xi32>,
      %mul3A_85 = arith.constant 100000 : i32
      %mul3A_86 = vector.broadcast %mul3A_85 : i32 to vector<16xi32>
      %mul3A_87 = arith.muli %rem3A_83, %mul3A_86 : vector<16xi32>
      %add3A_88 = arith.addi %gather3A_84, %mul3A_87 : vector<16xi32>
      %swap3A_89 = arith.index_cast %scan3A_12 : i32 to index
      %swap3A_90 = arith.constant 48 : index
      %swap3A_91 = tpu.vector_load %arg6[%swap3A_89, %swap3A_90] {strides = array<i32>} : memref<45x128xi32, #tpu.memory_space<vmem>>, vector<16xi32>,
      tpu.vector_store %arg6[%swap3A_89, %swap3A_90], %add3A_88 {strides = array<i32>} : memref<45x128xi32, #tpu.memory_space<vmem>>, vector<16xi32>,
      %mul3A_92 = arith.constant 128 : i32
      %mul3A_93 = arith.muli %scan3A_12, %mul3A_92 : i32
      %add3A_94 = arith.constant 64 : i32
      %add3A_95 = arith.addi %mul3A_93, %add3A_94 : i32
      %iota3A_96 = tpu.iota {dimensions = array<i32: 0>} : vector<16xi32>
      %add3A_97 = vector.broadcast %add3A_95 : i32 to vector<16xi32>
      %add3A_98 = arith.addi %add3A_97, %iota3A_96 : vector<16xi32>
      %div3A_99 = arith.constant 20 : i32
      %div3A_100 = vector.broadcast %div3A_99 : i32 to vector<16xi32>
      %div3A_101 = arith.divsi %add3A_98, %div3A_100 : vector<16xi32>
      %rem3A_102 = arith.constant 20 : i32
      %rem3A_103 = vector.broadcast %rem3A_102 : i32 to vector<16xi32>
      %rem3A_104 = arith.remsi %add3A_98, %rem3A_103 : vector<16xi32>
      %gather3A_105 = tpu.vector_load_idx %arg5[%div3A_101] : memref<288xi32, #tpu.memory_space<vmem>>[vector<16xi32>], vector<16xi32>,
      %mul3A_106 = arith.constant 100000 : i32
      %mul3A_107 = vector.broadcast %mul3A_106 : i32 to vector<16xi32>
      %mul3A_108 = arith.muli %rem3A_104, %mul3A_107 : vector<16xi32>
      %add3A_109 = arith.addi %gather3A_105, %mul3A_108 : vector<16xi32>
      %swap3A_110 = arith.index_cast %scan3A_12 : i32 to index
      %swap3A_111 = arith.constant 64 : index
      %swap3A_112 = tpu.vector_load %arg6[%swap3A_110, %swap3A_111] {strides = array<i32>} : memref<45x128xi32, #tpu.memory_space<vmem>>, vector<16xi32>,
      tpu.vector_store %arg6[%swap3A_110, %swap3A_111], %add3A_109 {strides = array<i32>} : memref<45x128xi32, #tpu.memory_space<vmem>>, vector<16xi32>,
      %mul3A_113 = arith.constant 128 : i32
      %mul3A_114 = arith.muli %scan3A_12, %mul3A_113 : i32
      %add3A_115 = arith.constant 80 : i32
      %add3A_116 = arith.addi %mul3A_114, %add3A_115 : i32
      %iota3A_117 = tpu.iota {dimensions = array<i32: 0>} : vector<16xi32>
      %add3A_118 = vector.broadcast %add3A_116 : i32 to vector<16xi32>
      %add3A_119 = arith.addi %add3A_118, %iota3A_117 : vector<16xi32>
      %div3A_120 = arith.constant 20 : i32
      %div3A_121 = vector.broadcast %div3A_120 : i32 to vector<16xi32>
      %div3A_122 = arith.divsi %add3A_119, %div3A_121 : vector<16xi32>
      %rem3A_123 = arith.constant 20 : i32
      %rem3A_124 = vector.broadcast %rem3A_123 : i32 to vector<16xi32>
      %rem3A_125 = arith.remsi %add3A_119, %rem3A_124 : vector<16xi32>
      %gather3A_126 = tpu.vector_load_idx %arg5[%div3A_122] : memref<288xi32, #tpu.memory_space<vmem>>[vector<16xi32>], vector<16xi32>,
      %mul3A_127 = arith.constant 100000 : i32
      %mul3A_128 = vector.broadcast %mul3A_127 : i32 to vector<16xi32>
      %mul3A_129 = arith.muli %rem3A_125, %mul3A_128 : vector<16xi32>
      %add3A_130 = arith.addi %gather3A_126, %mul3A_129 : vector<16xi32>
      %swap3A_131 = arith.index_cast %scan3A_12 : i32 to index
      %swap3A_132 = arith.constant 80 : index
      %swap3A_133 = tpu.vector_load %arg6[%swap3A_131, %swap3A_132] {strides = array<i32>} : memref<45x128xi32, #tpu.memory_space<vmem>>, vector<16xi32>,
      tpu.vector_store %arg6[%swap3A_131, %swap3A_132], %add3A_130 {strides = array<i32>} : memref<45x128xi32, #tpu.memory_space<vmem>>, vector<16xi32>,
      %mul3A_134 = arith.constant 128 : i32
      %mul3A_135 = arith.muli %scan3A_12, %mul3A_134 : i32
      %add3A_136 = arith.constant 96 : i32
      %add3A_137 = arith.addi %mul3A_135, %add3A_136 : i32
      %iota3A_138 = tpu.iota {dimensions = array<i32: 0>} : vector<16xi32>
      %add3A_139 = vector.broadcast %add3A_137 : i32 to vector<16xi32>
      %add3A_140 = arith.addi %add3A_139, %iota3A_138 : vector<16xi32>
      %div3A_141 = arith.constant 20 : i32
      %div3A_142 = vector.broadcast %div3A_141 : i32 to vector<16xi32>
      %div3A_143 = arith.divsi %add3A_140, %div3A_142 : vector<16xi32>
      %rem3A_144 = arith.constant 20 : i32
      %rem3A_145 = vector.broadcast %rem3A_144 : i32 to vector<16xi32>
      %rem3A_146 = arith.remsi %add3A_140, %rem3A_145 : vector<16xi32>
      %gather3A_147 = tpu.vector_load_idx %arg5[%div3A_143] : memref<288xi32, #tpu.memory_space<vmem>>[vector<16xi32>], vector<16xi32>,
      %mul3A_148 = arith.constant 100000 : i32
      %mul3A_149 = vector.broadcast %mul3A_148 : i32 to vector<16xi32>
      %mul3A_150 = arith.muli %rem3A_146, %mul3A_149 : vector<16xi32>
      %add3A_151 = arith.addi %gather3A_147, %mul3A_150 : vector<16xi32>
      %swap3A_152 = arith.index_cast %scan3A_12 : i32 to index
      %swap3A_153 = arith.constant 96 : index
      %swap3A_154 = tpu.vector_load %arg6[%swap3A_152, %swap3A_153] {strides = array<i32>} : memref<45x128xi32, #tpu.memory_space<vmem>>, vector<16xi32>,
      tpu.vector_store %arg6[%swap3A_152, %swap3A_153], %add3A_151 {strides = array<i32>} : memref<45x128xi32, #tpu.memory_space<vmem>>, vector<16xi32>,
      %mul3A_155 = arith.constant 128 : i32
      %mul3A_156 = arith.muli %scan3A_12, %mul3A_155 : i32
      %add3A_157 = arith.constant 112 : i32
      %add3A_158 = arith.addi %mul3A_156, %add3A_157 : i32
      %iota3A_159 = tpu.iota {dimensions = array<i32: 0>} : vector<16xi32>
      %add3A_160 = vector.broadcast %add3A_158 : i32 to vector<16xi32>
      %add3A_161 = arith.addi %add3A_160, %iota3A_159 : vector<16xi32>
      %div3A_162 = arith.constant 20 : i32
      %div3A_163 = vector.broadcast %div3A_162 : i32 to vector<16xi32>
      %div3A_164 = arith.divsi %add3A_161, %div3A_163 : vector<16xi32>
      %rem3A_165 = arith.constant 20 : i32
      %rem3A_166 = vector.broadcast %rem3A_165 : i32 to vector<16xi32>
      %rem3A_167 = arith.remsi %add3A_161, %rem3A_166 : vector<16xi32>
      %gather3A_168 = tpu.vector_load_idx %arg5[%div3A_164] : memref<288xi32, #tpu.memory_space<vmem>>[vector<16xi32>], vector<16xi32>,
      %mul3A_169 = arith.constant 100000 : i32
      %mul3A_170 = vector.broadcast %mul3A_169 : i32 to vector<16xi32>
      %mul3A_171 = arith.muli %rem3A_167, %mul3A_170 : vector<16xi32>
      %add3A_172 = arith.addi %gather3A_168, %mul3A_171 : vector<16xi32>
      %swap3A_173 = arith.index_cast %scan3A_12 : i32 to index
      %swap3A_174 = arith.constant 112 : index
      %swap3A_175 = tpu.vector_load %arg6[%swap3A_173, %swap3A_174] {strides = array<i32>} : memref<45x128xi32, #tpu.memory_space<vmem>>, vector<16xi32>,
      tpu.vector_store %arg6[%swap3A_173, %swap3A_174], %add3A_172 {strides = array<i32>} : memref<45x128xi32, #tpu.memory_space<vmem>>, vector<16xi32>,
      %mul3A_176 = arith.constant 128 : i32
      %mul3A_177 = arith.muli %scan3A_12, %mul3A_176 : i32
      %dma_start3A = tpu.memref_slice %arg7[%mul3A_177] : memref<5760xf32, #tpu.memory_space<vmem>> -> memref<128xf32, #tpu.memory_space<vmem>>
      %dma_start3A_178 = arith.constant 0 : i32
      %dma_start3A_179 = tpu.memref_slice %arg6[%scan3A_12, %dma_start3A_178] : memref<45x128xi32, #tpu.memory_space<vmem>> -> memref<1x128xi32, #tpu.memory_space<vmem>>
      %dma_start3A_180 = tpu.memref_squeeze %dma_start3A_179 : memref<1x128xi32, #tpu.memory_space<vmem>> -> memref<128xi32, #tpu.memory_space<vmem>>
      %dma_start3A_181 = arith.constant 0 : i32
      %dma_start3A_182 = tpu.memref_slice %arg3[%dma_start3A_181] : memref<2000000xf32, #tpu.memory_space<hbm>> -> memref<2000000xf32, #tpu.memory_space<hbm>>
      tpu.enqueue_indirect_dma source(%dma_start3A_182 : memref<2000000xf32, #tpu.memory_space<hbm>>) target(%dma_start3A : memref<128xf32, #tpu.memory_space<vmem>>) offsets(%dma_start3A_180 : memref<128xi32, #tpu.memory_space<vmem>>) semaphore(%arg8 : memref<!tpu.dma_semaphore, #tpu.memory_space<semaphore_mem>>)
    }
    %scan3A_6 = arith.constant 45 : i32
    %mul3A_7 = arith.constant 5760 : i32
    %mul3A_8 = arith.muli %add3A, %mul3A_7 : i32
    %dma_wait3A = tpu.memref_slice %arg4[%mul3A_8] : memref<184320xf32, #tpu.memory_space<hbm>> -> memref<5760xf32, #tpu.memory_space<hbm>>
    %dma_wait3A_9 = tpu.memref_slice %arg4[%mul3A_8] : memref<184320xf32, #tpu.memory_space<hbm>> -> memref<5760xf32, #tpu.memory_space<hbm>>
    tpu.wait_dma2 semaphore(%arg8 : memref<!tpu.dma_semaphore, #tpu.memory_space<semaphore_mem>>) src(%dma_wait3A_9 : memref<5760xf32, #tpu.memory_space<hbm>>) dst(%arg7 : memref<5760xf32, #tpu.memory_space<vmem>>)
    %mul3A_10 = arith.constant 5760 : i32
    %mul3A_11 = arith.muli %add3A, %mul3A_10 : i32
    "tpu.region"() ({
      %run_scoped3A = tpu.sem_alloc : memref<!tpu.dma_semaphore, #tpu.memory_space<semaphore_mem>>
      %dma_start3A = tpu.memref_slice %arg4[%mul3A_11] : memref<184320xf32, #tpu.memory_space<hbm>> -> memref<5760xf32, #tpu.memory_space<hbm>>
      %dma_start3A_12 = tpu.memref_slice %arg4[%mul3A_11] : memref<184320xf32, #tpu.memory_space<hbm>> -> memref<5760xf32, #tpu.memory_space<hbm>>
      tpu.enqueue_dma source(%arg7 : memref<5760xf32, #tpu.memory_space<vmem>>) target(%dma_start3A_12 : memref<5760xf32, #tpu.memory_space<hbm>>) target_semaphore(%run_scoped3A : memref<!tpu.dma_semaphore, #tpu.memory_space<semaphore_mem>>)
      %dma_wait3A_13 = tpu.memref_slice %arg4[%mul3A_11] : memref<184320xf32, #tpu.memory_space<hbm>> -> memref<5760xf32, #tpu.memory_space<hbm>>
      %dma_wait3A_14 = tpu.memref_slice %arg4[%mul3A_11] : memref<184320xf32, #tpu.memory_space<hbm>> -> memref<5760xf32, #tpu.memory_space<hbm>>
      tpu.wait_dma2 semaphore(%run_scoped3A : memref<!tpu.dma_semaphore, #tpu.memory_space<semaphore_mem>>) src(%arg7 : memref<5760xf32, #tpu.memory_space<vmem>>) dst(%dma_wait3A_14 : memref<5760xf32, #tpu.memory_space<hbm>>)
      tpu.yield
    }) : () -> ()
    return
  }
}

module attributes {stable_mosaic.version = 14 : i64} {
  func.func @_mlp_proj(%arg0: i32, %arg1: memref<1024x180xf32, #tpu.memory_space<vmem>>, %arg2: memref<180x500xf32, #tpu.memory_space<vmem>>, %arg3: memref<1x500xf32, #tpu.memory_space<vmem>>, %arg4: memref<500x500xf32, #tpu.memory_space<vmem>>, %arg5: memref<1x500xf32, #tpu.memory_space<vmem>>, %arg6: memref<500x3584xf32, #tpu.memory_space<vmem>>, %arg7: memref<1x3584xf32, #tpu.memory_space<vmem>>, %arg8: memref<3584x1024xf32, #tpu.memory_space<vmem>>, %arg9: memref<1024x500xbf16, #tpu.memory_space<vmem>>) attributes {dimension_semantics = [#tpu.dimension_semantics<arbitrary>], iteration_bounds = array<i64: 28>, scalar_prefetch = 0 : i64, scratch_operands = 1 : i64, tpu.core_type = #tpu.core_type<tc>, window_params = [{pipeline_mode = #tpu.pipeline_mode<synchronous>, transform_indices = @transform_0, window_bounds = array<i64: 1024, 180>}, {pipeline_mode = #tpu.pipeline_mode<synchronous>, transform_indices = @transform_1, window_bounds = array<i64: 180, 500>}, {pipeline_mode = #tpu.pipeline_mode<synchronous>, transform_indices = @transform_2, window_bounds = array<i64: 1, 500>}, {pipeline_mode = #tpu.pipeline_mode<synchronous>, transform_indices = @transform_3, window_bounds = array<i64: 500, 500>}, {pipeline_mode = #tpu.pipeline_mode<synchronous>, transform_indices = @transform_4, window_bounds = array<i64: 1, 500>}, {transform_indices = @transform_5, window_bounds = array<i64: 500, 3584>}, {transform_indices = @transform_6, window_bounds = array<i64: 1, 3584>}, {transform_indices = @transform_7, window_bounds = array<i64: 3584, 1024>}]} {
    %eq3A = arith.constant 0 : i32
    %eq3A_0 = arith.cmpi eq, %arg0, %eq3A : i32
    %convert_element_type3A = arith.extui %eq3A_0 : i1 to i32
    %cond3A = arith.constant 0 : i32
    %cond3A_1 = arith.cmpi ne, %convert_element_type3A, %cond3A : i32
    scf.if %cond3A_1 {
      %get3A_17 = arith.constant 0 : index
      %get3A_18 = arith.constant 0 : index
      %get3A_19 = vector.load %arg1[%get3A_17, %get3A_18] : memref<1024x180xf32, #tpu.memory_space<vmem>>, vector<1024x180xf32>
      %get3A_20 = arith.constant 0 : index
      %get3A_21 = arith.constant 0 : index
      %get3A_22 = vector.load %arg2[%get3A_20, %get3A_21] : memref<180x500xf32, #tpu.memory_space<vmem>>, vector<180x500xf32>
      %dot_general3A_23 = arith.constant dense<0.000000e+00> : vector<1024x500xf32>
      %dot_general3A_24 = tpu.matmul %get3A_19, %get3A_22, %dot_general3A_23 {dimension_numbers = #tpu.dot_dimension_numbers<[1], [0], [0], [1], [0, 0, 1, 1], [], []>, transpose_lhs_hint = false} : vector<1024x180xf32>, vector<180x500xf32>, vector<1024x500xf32> -> vector<1024x500xf32>
      %get3A_25 = arith.constant 0 : index
      %get3A_26 = arith.constant 0 : index
      %get3A_27 = vector.load %arg3[%get3A_25, %get3A_26] : memref<1x500xf32, #tpu.memory_space<vmem>>, vector<1x500xf32>
      %add3A_28 = vector.broadcast %get3A_27 : vector<1x500xf32> to vector<1024x500xf32>
      %add3A_29 = arith.addf %dot_general3A_24, %add3A_28 : vector<1024x500xf32>
      %max3A = arith.constant 0.000000e+00 : f32
      %max3A_30 = vector.broadcast %max3A : f32 to vector<1024x500xf32>
      %max3A_31 = arith.maximumf %add3A_29, %max3A_30 : vector<1024x500xf32>
      %get3A_32 = arith.constant 0 : index
      %get3A_33 = arith.constant 0 : index
      %get3A_34 = vector.load %arg4[%get3A_32, %get3A_33] : memref<500x500xf32, #tpu.memory_space<vmem>>, vector<500x500xf32>
      %dot_general3A_35 = arith.constant dense<0.000000e+00> : vector<1024x500xf32>
      %dot_general3A_36 = tpu.matmul %max3A_31, %get3A_34, %dot_general3A_35 {dimension_numbers = #tpu.dot_dimension_numbers<[1], [0], [0], [1], [0, 0, 1, 1], [], []>, transpose_lhs_hint = false} : vector<1024x500xf32>, vector<500x500xf32>, vector<1024x500xf32> -> vector<1024x500xf32>
      %get3A_37 = arith.constant 0 : index
      %get3A_38 = arith.constant 0 : index
      %get3A_39 = vector.load %arg5[%get3A_37, %get3A_38] : memref<1x500xf32, #tpu.memory_space<vmem>>, vector<1x500xf32>
      %add3A_40 = vector.broadcast %get3A_39 : vector<1x500xf32> to vector<1024x500xf32>
      %add3A_41 = arith.addf %dot_general3A_36, %add3A_40 : vector<1024x500xf32>
      %max3A_42 = arith.constant 0.000000e+00 : f32
      %max3A_43 = vector.broadcast %max3A_42 : f32 to vector<1024x500xf32>
      %max3A_44 = arith.maximumf %add3A_41, %max3A_43 : vector<1024x500xf32>
      %get3A_45 = arith.constant 0 : index
      %get3A_46 = arith.constant 0 : index
      %get3A_47 = vector.load %arg4[%get3A_45, %get3A_46] : memref<500x500xf32, #tpu.memory_space<vmem>>, vector<500x500xf32>
      %dot_general3A_48 = arith.constant dense<0.000000e+00> : vector<1024x500xf32>
      %dot_general3A_49 = tpu.matmul %max3A_44, %get3A_47, %dot_general3A_48 {dimension_numbers = #tpu.dot_dimension_numbers<[1], [0], [0], [1], [0, 0, 1, 1], [], []>, transpose_lhs_hint = false} : vector<1024x500xf32>, vector<500x500xf32>, vector<1024x500xf32> -> vector<1024x500xf32>
      %get3A_50 = arith.constant 0 : index
      %get3A_51 = arith.constant 0 : index
      %get3A_52 = vector.load %arg5[%get3A_50, %get3A_51] : memref<1x500xf32, #tpu.memory_space<vmem>>, vector<1x500xf32>
      %add3A_53 = vector.broadcast %get3A_52 : vector<1x500xf32> to vector<1024x500xf32>
      %add3A_54 = arith.addf %dot_general3A_49, %add3A_53 : vector<1024x500xf32>
      %max3A_55 = arith.constant 0.000000e+00 : f32
      %max3A_56 = vector.broadcast %max3A_55 : f32 to vector<1024x500xf32>
      %max3A_57 = arith.maximumf %add3A_54, %max3A_56 : vector<1024x500xf32>
      %get3A_58 = arith.constant 0 : index
      %get3A_59 = arith.constant 0 : index
      %get3A_60 = vector.load %arg4[%get3A_58, %get3A_59] : memref<500x500xf32, #tpu.memory_space<vmem>>, vector<500x500xf32>
      %dot_general3A_61 = arith.constant dense<0.000000e+00> : vector<1024x500xf32>
      %dot_general3A_62 = tpu.matmul %max3A_57, %get3A_60, %dot_general3A_61 {dimension_numbers = #tpu.dot_dimension_numbers<[1], [0], [0], [1], [0, 0, 1, 1], [], []>, transpose_lhs_hint = false} : vector<1024x500xf32>, vector<500x500xf32>, vector<1024x500xf32> -> vector<1024x500xf32>
      %get3A_63 = arith.constant 0 : index
      %get3A_64 = arith.constant 0 : index
      %get3A_65 = vector.load %arg5[%get3A_63, %get3A_64] : memref<1x500xf32, #tpu.memory_space<vmem>>, vector<1x500xf32>
      %add3A_66 = vector.broadcast %get3A_65 : vector<1x500xf32> to vector<1024x500xf32>
      %add3A_67 = arith.addf %dot_general3A_62, %add3A_66 : vector<1024x500xf32>
      %max3A_68 = arith.constant 0.000000e+00 : f32
      %max3A_69 = vector.broadcast %max3A_68 : f32 to vector<1024x500xf32>
      %max3A_70 = arith.maximumf %add3A_67, %max3A_69 : vector<1024x500xf32>
      %get3A_71 = arith.constant 0 : index
      %get3A_72 = arith.constant 0 : index
      %get3A_73 = vector.load %arg4[%get3A_71, %get3A_72] : memref<500x500xf32, #tpu.memory_space<vmem>>, vector<500x500xf32>
      %dot_general3A_74 = arith.constant dense<0.000000e+00> : vector<1024x500xf32>
      %dot_general3A_75 = tpu.matmul %max3A_70, %get3A_73, %dot_general3A_74 {dimension_numbers = #tpu.dot_dimension_numbers<[1], [0], [0], [1], [0, 0, 1, 1], [], []>, transpose_lhs_hint = false} : vector<1024x500xf32>, vector<500x500xf32>, vector<1024x500xf32> -> vector<1024x500xf32>
      %get3A_76 = arith.constant 0 : index
      %get3A_77 = arith.constant 0 : index
      %get3A_78 = vector.load %arg5[%get3A_76, %get3A_77] : memref<1x500xf32, #tpu.memory_space<vmem>>, vector<1x500xf32>
      %add3A_79 = vector.broadcast %get3A_78 : vector<1x500xf32> to vector<1024x500xf32>
      %add3A_80 = arith.addf %dot_general3A_75, %add3A_79 : vector<1024x500xf32>
      %max3A_81 = arith.constant 0.000000e+00 : f32
      %max3A_82 = vector.broadcast %max3A_81 : f32 to vector<1024x500xf32>
      %max3A_83 = arith.maximumf %add3A_80, %max3A_82 : vector<1024x500xf32>
      %get3A_84 = arith.constant 0 : index
      %get3A_85 = arith.constant 0 : index
      %get3A_86 = vector.load %arg4[%get3A_84, %get3A_85] : memref<500x500xf32, #tpu.memory_space<vmem>>, vector<500x500xf32>
      %dot_general3A_87 = arith.constant dense<0.000000e+00> : vector<1024x500xf32>
      %dot_general3A_88 = tpu.matmul %max3A_83, %get3A_86, %dot_general3A_87 {dimension_numbers = #tpu.dot_dimension_numbers<[1], [0], [0], [1], [0, 0, 1, 1], [], []>, transpose_lhs_hint = false} : vector<1024x500xf32>, vector<500x500xf32>, vector<1024x500xf32> -> vector<1024x500xf32>
      %get3A_89 = arith.constant 0 : index
      %get3A_90 = arith.constant 0 : index
      %get3A_91 = vector.load %arg5[%get3A_89, %get3A_90] : memref<1x500xf32, #tpu.memory_space<vmem>>, vector<1x500xf32>
      %add3A_92 = vector.broadcast %get3A_91 : vector<1x500xf32> to vector<1024x500xf32>
      %add3A_93 = arith.addf %dot_general3A_88, %add3A_92 : vector<1024x500xf32>
      %max3A_94 = arith.constant 0.000000e+00 : f32
      %max3A_95 = vector.broadcast %max3A_94 : f32 to vector<1024x500xf32>
      %max3A_96 = arith.maximumf %add3A_93, %max3A_95 : vector<1024x500xf32>
      %get3A_97 = arith.constant 0 : index
      %get3A_98 = arith.constant 0 : index
      %get3A_99 = vector.load %arg4[%get3A_97, %get3A_98] : memref<500x500xf32, #tpu.memory_space<vmem>>, vector<500x500xf32>
      %dot_general3A_100 = arith.constant dense<0.000000e+00> : vector<1024x500xf32>
      %dot_general3A_101 = tpu.matmul %max3A_96, %get3A_99, %dot_general3A_100 {dimension_numbers = #tpu.dot_dimension_numbers<[1], [0], [0], [1], [0, 0, 1, 1], [], []>, transpose_lhs_hint = false} : vector<1024x500xf32>, vector<500x500xf32>, vector<1024x500xf32> -> vector<1024x500xf32>
      %get3A_102 = arith.constant 0 : index
      %get3A_103 = arith.constant 0 : index
      %get3A_104 = vector.load %arg5[%get3A_102, %get3A_103] : memref<1x500xf32, #tpu.memory_space<vmem>>, vector<1x500xf32>
      %add3A_105 = vector.broadcast %get3A_104 : vector<1x500xf32> to vector<1024x500xf32>
      %add3A_106 = arith.addf %dot_general3A_101, %add3A_105 : vector<1024x500xf32>
      %max3A_107 = arith.constant 0.000000e+00 : f32
      %max3A_108 = vector.broadcast %max3A_107 : f32 to vector<1024x500xf32>
      %max3A_109 = arith.maximumf %add3A_106, %max3A_108 : vector<1024x500xf32>
      %convert_element_type3A_110 = arith.truncf %max3A_109 : vector<1024x500xf32> to vector<1024x500xbf16>
      %swap3A_111 = arith.constant 0 : index
      %swap3A_112 = arith.constant 0 : index
      %swap3A_113 = vector.load %arg9[%swap3A_111, %swap3A_112] : memref<1024x500xbf16, #tpu.memory_space<vmem>>, vector<1024x500xbf16>
      tpu.vector_store %arg9[%swap3A_111, %swap3A_112], %convert_element_type3A_110 {strides = array<i32>} : memref<1024x500xbf16, #tpu.memory_space<vmem>>, vector<1024x500xbf16>,
    } else {
    }
    %get3A = arith.constant 0 : index
    %get3A_2 = arith.constant 0 : index
    %get3A_3 = vector.load %arg6[%get3A, %get3A_2] : memref<500x3584xf32, #tpu.memory_space<vmem>>, vector<500x3584xf32>
    %convert_element_type3A_4 = arith.truncf %get3A_3 : vector<500x3584xf32> to vector<500x3584xbf16>
    %get3A_5 = arith.constant 0 : index
    %get3A_6 = arith.constant 0 : index
    %get3A_7 = vector.load %arg9[%get3A_5, %get3A_6] : memref<1024x500xbf16, #tpu.memory_space<vmem>>, vector<1024x500xbf16>
    %dot_general3A = arith.constant dense<0.000000e+00> : vector<3584x1024xf32>
    %dot_general3A_8 = tpu.matmul %convert_element_type3A_4, %get3A_7, %dot_general3A {dimension_numbers = #tpu.dot_dimension_numbers<[0], [1], [1], [0], [0, 1, 1, 0], [], []>, transpose_lhs_hint = false} : vector<500x3584xbf16>, vector<1024x500xbf16>, vector<3584x1024xf32> -> vector<3584x1024xf32>
    %broadcast_in_dim3A = arith.constant 1.000000e+00 : f32
    %broadcast_in_dim3A_9 = vector.broadcast %broadcast_in_dim3A : f32 to vector<1x1024xf32>
    %get3A_10 = arith.constant 0 : index
    %get3A_11 = arith.constant 0 : index
    %get3A_12 = vector.load %arg7[%get3A_10, %get3A_11] : memref<1x3584xf32, #tpu.memory_space<vmem>>, vector<1x3584xf32>
    %dot_general3A_13 = arith.constant dense<0.000000e+00> : vector<3584x1024xf32>
    %dot_general3A_14 = tpu.matmul %get3A_12, %broadcast_in_dim3A_9, %dot_general3A_13 {dimension_numbers = #tpu.dot_dimension_numbers<[0], [0], [1], [1], [0, 1, 1, 1], [], []>, transpose_lhs_hint = false} : vector<1x3584xf32>, vector<1x1024xf32>, vector<3584x1024xf32> -> vector<3584x1024xf32>
    %add3A = arith.addf %dot_general3A_8, %dot_general3A_14 : vector<3584x1024xf32>
    %swap3A = arith.constant 0 : index
    %swap3A_15 = arith.constant 0 : index
    %swap3A_16 = vector.load %arg8[%swap3A, %swap3A_15] : memref<3584x1024xf32, #tpu.memory_space<vmem>>, vector<3584x1024xf32>
    tpu.vector_store %arg8[%swap3A, %swap3A_15], %add3A {strides = array<i32>} : memref<3584x1024xf32, #tpu.memory_space<vmem>>, vector<3584x1024xf32>,
    return
  }
  func.func @transform_0(%arg0: i32) -> (i32, i32) {
    %c0_i32 = arith.constant 0 : i32
    %c0_i32_0 = arith.constant 0 : i32
    %c0_i32_1 = arith.constant 0 : i32
    return %c0_i32, %c0_i32_0 : i32, i32
  }
  func.func @transform_1(%arg0: i32) -> (i32, i32) {
    %c0_i32 = arith.constant 0 : i32
    %c0_i32_0 = arith.constant 0 : i32
    %c0_i32_1 = arith.constant 0 : i32
    return %c0_i32, %c0_i32_0 : i32, i32
  }
  func.func @transform_2(%arg0: i32) -> (i32, i32) {
    %c0_i32 = arith.constant 0 : i32
    %c0_i32_0 = arith.constant 0 : i32
    %c0_i32_1 = arith.constant 0 : i32
    return %c0_i32, %c0_i32_0 : i32, i32
  }
  func.func @transform_3(%arg0: i32) -> (i32, i32) {
    %c0_i32 = arith.constant 0 : i32
    %c0_i32_0 = arith.constant 0 : i32
    %c0_i32_1 = arith.constant 0 : i32
    return %c0_i32, %c0_i32_0 : i32, i32
  }
  func.func @transform_4(%arg0: i32) -> (i32, i32) {
    %c0_i32 = arith.constant 0 : i32
    %c0_i32_0 = arith.constant 0 : i32
    %c0_i32_1 = arith.constant 0 : i32
    return %c0_i32, %c0_i32_0 : i32, i32
  }
  func.func @transform_5(%arg0: i32) -> (i32, i32) {
    %c0_i32 = arith.constant 0 : i32
    %c0_i32_0 = arith.constant 0 : i32
    return %c0_i32, %arg0 : i32, i32
  }
  func.func @transform_6(%arg0: i32) -> (i32, i32) {
    %c0_i32 = arith.constant 0 : i32
    %c0_i32_0 = arith.constant 0 : i32
    return %c0_i32, %arg0 : i32, i32
  }
  func.func @transform_7(%arg0: i32) -> (i32, i32) {
    %c0_i32 = arith.constant 0 : i32
    %c0_i32_0 = arith.constant 0 : i32
    return %arg0, %c0_i32 : i32, i32
  }
}

</mosaic_0001>

<sc_bundles>
// kernel: kernel.4.cloned.1.call-start
scs
__scs_entry_jumppad:
0x0: {  	(pc) =	sbr.rel $0x88, $3  }
0x1: {  	(tag) =	ssettag $0x0;
	lr =	simm.s32 $0x1  }
0x2: {  	[smem:$0x3F99] =	sst lr;
	_ =	strace $0xD0000000  }
0x3: {  	_ = 	snop  }
0x4: {  	_ = 	snop  }
0x5: {  	_ = 	snop  }
0x6: {  	_ = 	snop  }
0x7: {  	_ = 	snop  }
__scs_overlays_trampoline_lowered:
0x8: {  	[smem:$0x3FA8] =	sst s0  }
0x9: {  	[smem:$0x3FA9] =	sst s1  }
0xa: {  	[smem:$0x3FAA] =	sst s2  }
0xb: {  	[smem:$0x3FAB] =	sst s3  }
0xc: {  	[smem:$0x3FAC] =	sst s4  }
0xd: {  	[smem:$0x3FAD] =	sst s5  }
0xe: {  	[smem:$0x3FAE] =	sst s6  }
0xf: {  	[smem:$0x3FAF] =	sst s7  }
0x10: {  	[smem:$0x3FB0] =	sst s8  }
0x11: {  	[smem:$0x3FB1] =	sst s9;
	s0 =	simm.s32 @!p0 $0x0  }
0x12: {  	s1 =	sld [smem:$0x3F97];
	s0 =	simm.s32 @p0 $0x1  }
0x13: {  	[smem:$0x3FB2] =	sst s0;
	s0 =	simm.s32 @!p1 $0x0  }
0x14: {  	s2 =	sld [smem:$0x3F96];
	s0 =	simm.s32 @p1 $0x1  }
0x15: {  	[smem:$0x3FB3] =	sst s0;
	s0 =	simm.s32 @!p2 $0x0  }
0x16: {  	s3 =	sld [smem:$0x3FDB];
	s0 =	simm.s32 @p2 $0x1  }
0x17: {  	s4 =	simm.s32 $0x1BF5;
	[smem:$0x3FB5] =	sst s0  }
0x18: {  	s0 =	sld [smem:$0x3F98];
	_ =	swait.ge [sflag:s4], $0x0  }
0x19: {  	s7 =	sld [smem:$0x3F99]  }
0x1a: {  	s8 =	sadd.s32 $0xFFFFE003, lr  }
0x1b: {  	s9 =	sadd.s32 $0xFFFFFEF7, lr;
	s5 =	simm.s32 $0xFFFFFFFF;
	p2 =	slt.u32 s8, $0xFFFFF086  }
0x1c: {  	p1 =	slt.u32 s9, $0xF7A;
	s5 =	simm.s32 @!p2 $0x0  }
0x1d: {  	s5 =	simm.s32 @p1 $0x1;
	p0 =	seq.s32 s7, s2  }
0x1e: {  	s7 =	smul.u32 @!p0 $0xF7A, s2;
	p2 =	seq.s32 @!p0 s5, $0x0  }
0x1f: {  	s9 =	smul.u32 $0xF7A, s1;
	s8 =	simm.s32 @!p0 $0x1BF5;
	p2 =	por !p2, p0  }
0x20: {  	[sflag:s8] =	ssyncset.s32 @!p0 $0xFFFFF086;
	s6 =	sadd.s32 @!p0 s3, s7;
	s7 =	simm.s32 @!p0 $0x108  }
0x21: {  	s3 =	sadd.s32 s3, s9;
	s6 =	sadd.s32 @!p0 $0x88, s6;
	s7 =	simm.s32 @p2 $0x1082  }
0x22: {  	[simem:s7], [sflag:s8] =	dma.local @!p0 [hbm:s6], $0xF7A  }
0x23: {  	s9 =	sor.u32 $0xD0000000, s2;
	s6 =	simm.s32 $0x108;
	_ =	swait.ge @!p0 [sflag:s8], $0x0  }
0x24: {  	s3 =	sadd.s32 $0x88, s3;
	s6 =	simm.s32 @!p1 $0x1082;
	[sflag:s4] =	ssyncset.s32 $0xFFFFF086  }
0x25: {  	[simem:s6], [sflag:s4] =	dma.local [hbm:s3], $0xF7A  }
0x26: {  	[smem:$0x3F99] =	sst s1;
	(tag) =	ssettag s2;
	_ =	strace s9  }
0x27: {  	s1 =	sld [smem:$0x3FA9]  }
0x28: {  	s2 =	sld [smem:$0x3FAA]  }
0x29: {  	s4 =	sld [smem:$0x3FAC]  }
0x2a: {  	p0 =	seq.s32 s5, $0x0;
	s5 =	sld [smem:$0x3FAD]  }
0x2b: {  	s6 =	sld [smem:$0x3FAE]  }
0x2c: {  	s7 =	sld [smem:$0x3FAF]  }
0x2d: {  	s3 =	simm.s32 $0x108;
	s8 =	sld [smem:$0x3FB0]  }
0x2e: {  	s3 =	simm.s32 @!p0 $0x1082;
	s9 =	sld [smem:$0x3FB1]  }
0x2f: {  	lr =	sadd.s32 s0, s3;
	s0 =	sld [smem:$0x3FA8]  }
0x30: {  	s3 =	sld [smem:$0x3FAB]  }
0x31: {  	[smem:$0x3FB4] =	sst s10  }
0x32: {  	s10 =	sld [smem:$0x3FB2];
	_ =	sdelay $0x3  }
0x33: {  	p0 =	seq.s32 s10, $0x1;
	s10 =	sld [smem:$0x3FB4];
	_ =	sdelay $0x3  }
0x34: {  	[smem:$0x3FB4] =	sst s10  }
0x35: {  	s10 =	sld [smem:$0x3FB3];
	_ =	sdelay $0x3  }
0x36: {  	p1 =	seq.s32 s10, $0x1;
	s10 =	sld [smem:$0x3FB4];
	_ =	sdelay $0x3  }
0x37: {  	[smem:$0x3FB4] =	sst s10  }
0x38: {  	s10 =	sld [smem:$0x3FB5]  }
0x39: {  	_ = 	snop;
	(pc) =	sbr.ind lr, $3  }
0x3a: {  	_ = 	snop  }
0x3b: {  	_ = 	snop  }
0x3c: {  	p2 =	seq.s32 s10, $0x1;
	s10 =	sld [smem:$0x3FB4]  }
0x3d: {  	_ =	shalt  }
0x3e: {  	_ =	shalt  }
0x3f: {  	_ =	shalt  }
0x40: {  	_ =	shalt  }
0x41: {  	_ =	shalt  }
0x42: {  	_ =	shalt  }
0x43: {  	_ =	shalt  }
0x44: {  	_ =	shalt  }
0x45: {  	_ =	shalt  }
0x46: {  	_ =	shalt  }
0x47: {  	_ =	shalt  }
0x48: {  	_ =	shalt  }
0x49: {  	_ =	shalt  }
0x4a: {  	_ =	shalt  }
0x4b: {  	_ =	shalt  }
0x4c: {  	_ =	shalt  }
0x4d: {  	_ =	shalt  }
0x4e: {  	_ =	shalt  }
0x4f: {  	_ =	shalt  }
0x50: {  	_ =	shalt  }
0x51: {  	_ =	shalt  }
0x52: {  	_ =	shalt  }
0x53: {  	_ =	shalt  }
0x54: {  	_ =	shalt  }
0x55: {  	_ =	shalt  }
0x56: {  	_ =	shalt  }
0x57: {  	_ =	shalt  }
0x58: {  	_ =	shalt  }
0x59: {  	_ =	shalt  }
0x5a: {  	_ =	shalt  }
0x5b: {  	_ =	shalt  }
0x5c: {  	_ =	shalt  }
0x5d: {  	_ =	shalt  }
0x5e: {  	_ =	shalt  }
0x5f: {  	_ =	shalt  }
0x60: {  	_ =	shalt  }
0x61: {  	_ =	shalt  }
0x62: {  	_ =	shalt  }
0x63: {  	_ =	shalt  }
0x64: {  	_ =	shalt  }
0x65: {  	_ =	shalt  }
0x66: {  	_ =	shalt  }
0x67: {  	_ =	shalt  }
0x68: {  	_ =	shalt  }
0x69: {  	_ =	shalt  }
0x6a: {  	_ =	shalt  }
0x6b: {  	_ =	shalt  }
0x6c: {  	_ =	shalt  }
0x6d: {  	_ =	shalt  }
0x6e: {  	_ =	shalt  }
0x6f: {  	_ =	shalt  }
0x70: {  	_ =	shalt  }
0x71: {  	_ =	shalt  }
0x72: {  	_ =	shalt  }
0x73: {  	_ =	shalt  }
0x74: {  	_ =	shalt  }
0x75: {  	_ =	shalt  }
0x76: {  	_ =	shalt  }
0x77: {  	_ =	shalt  }
0x78: {  	_ =	shalt  }
0x79: {  	_ =	shalt  }
0x7a: {  	_ =	shalt  }
0x7b: {  	_ =	shalt  }
0x7c: {  	_ =	shalt  }
0x7d: {  	_ =	shalt  }
0x7e: {  	_ =	shalt  }
0x7f: {  	_ =	shalt  }
0x80: {  	_ =	shalt  }
0x81: {  	_ =	shalt  }
0x82: {  	_ =	shalt  }
0x83: {  	_ =	shalt  }
0x84: {  	_ =	shalt  }
0x85: {  	_ =	shalt  }
0x86: {  	_ =	shalt  }
0x87: {  	_ =	shalt  }
.Lfunc_end0:
.L_simem_size_0:
called_computation_lowered:
.L_overlay_start_0:
0x88: {  	s2 =	sld [smem:$0x3FD9]  }
0x89: {  	s3 =	sld [smem:$0x3FFE];
	_ =	sdelay $0x1  }
0x8a: {  	s1 =	srdreg.scid  }
0x8b: {  	s0 =	sand.u32 $0x1, s1  }
0x8c: {  	s17 =	sshll.u32 s0, $0xA;
	s2 =	sadd.s32 s3, s2  }
0x8d: {  	s2 =	sadd.s32 s2, s17  }
0x8e: {  	[smem:$0x3FC0] =	sst s2  }
0x8f: {  	_ = 	snop  }
0x90: {  	s2 =	sld [smem:$0x3FD0];
	(tm) =	ssettm $0x1  }
0x91: {  	s18 =	sld [smem:$0x3FFB];
	_ =	sdelay $0x3  }
0x92: {  	_ =	strace s18  }
0x93: {  	s3 =	sld [smem:$0x3FFC];
	_ =	sdelay $0x3  }
0x94: {  	_ =	strace s3  }
0x95: {  	s3 =	sld [smem:$0x3FFD];
	_ =	sdelay $0x3  }
0x96: {  	_ =	strace s3  }
0x97: {  	_ =	strace $0x8FFFFFFF  }
0x98: {  	s19 =	sld [smem:$0x3FDB];
	_ =	sdelay $0x1  }
0x99: {  	s4 =	simm.s32 $_scs_section_size  }
0x9a: {  	s5 =	simm.s32 $_size__tile_overlayer_lowered;
	s6 =	simm.s32 $_tile_overlayer_lowered  }
0x9b: {  	s22 =	simm.s32 $0x1BFF;
	s21 =	sshll.u32 s6, $0x1;
	s3 =	sadd.s32 s4, s19  }
0x9c: {  	s7 =	simm.s32 $0x0;
	s20 =	sshll.u32 s5, $0x1;
	s5 =	sadd.s32 s21, s3  }
0x9d: {  	[timem:s7], [sflag:s22] =	dma.local [hbm:s5], s20  }
0x9e: {  	_ =	swait.ge [sflag:s22], s20  }
0x9f: {  	s4 =	ssub.s32 $0x0, s20;
	[sflag:s22] =	ssyncset.done $0x0  }
0xa0: {  	[sflag:s22] =	ssyncadd.s32 s4;
	_ =	sdelay $0x1  }
0xa1: {  	s23 =	simm.s32 $0x1B8B  }
0xa2: {  	_ =	swait.ge [sflag:s23], $0x1  }
0xa3: {  	[sflag:s23] =	ssyncset.done $0x0  }
0xa4: {  	s25 =	simm.s32 $0x1B8E;
	s24 =	sld [smem:$0x3FFE];
	[sflag:s23] =	ssyncadd.s32 $0xFFFFFFFF  }
0xa5: {  	s26 =	simm.s32 $execute0_lowered;
	[smem:$0x3FD2] =	sst s25  }
0xa6: {  	s5 =	sshll.u32 s26, $0x1;
	_ =	strace $0x80000046;
	[dreg:$0x1] =	wrdreg $0xFFFFFFFF  }
0xa7: {  	s28 =	simm.s32 $_size_execute0_lowered;
	s3 =	sadd.s32 s3, s5;
	[dreg:$0x0] =	wrdreg $0x0  }
0xa8: {  	s5 =	sshll.u32 s28, $0x1;
	[dreg:$0x2] =	wrdreg s3  }
0xa9: {  	[dreg:$0x3] =	wrdreg s5  }
0xaa: {  	[dreg:$0x4] =	wrdreg $0xC0  }
0xab: {  	_ =	task [dreg:s7], $0x5FFFF  }
0xac: {  	[dreg:$0x1] =	wrdreg $0xFFFFFFFF  }
0xad: {  	[dreg:$0x0] =	wrdreg $0x60  }
0xae: {  	[dreg:$0x2] =	wrdreg s24  }
0xaf: {  	[dreg:$0x3] =	wrdreg s2  }
0xb0: {  	[dreg:$0x4] =	wrdreg $0x9  }
0xb1: {  	_ =	task.clear_ibuf [dreg:s7], $0x5FFFF;
	_ =	strace $0x90000046  }
0xb2: {  	s29 =	simm.s32 $0x9;
	_ =	strace $0x80000048  }
0xb3: {  	_ =	swait.ge [sflag:s29], $0x1  }
0xb4: {  	[sflag:s29] =	ssyncadd.s32 $0xFFFFFFFF  }
0xb5: {  	_ =	strace $0x90000048  }
0xb6: {  	_ =	sfence  }
0xb7: {  	s30 =	sld [smem:$0x0];
	_ =	sdelay $0x2  }
0xb8: {  	s31 =	sshll.u32 s1, $0xD;
	s1 =	sshrl.u32 s1, $0x2  }
0xb9: {  	s3 =	sand.u32 $0x4000, s31;
	s1 =	sadd.s32 s1, s30  }
0xba: {  	s0 =	sor.u32 s3, s0;
	s1 =	sshll.u32 s1, $0x11  }
0xbb: {  	s0 =	sor.u32 s1, s0  }
0xbc: {  	s0 =	sadd.s32 $0x8F2B, s0  }
0xbd: {  	[sflag:s0] =	ssyncadd.remote.s32 $0x1  }
0xbe: {  	_ =	sfence.sel $0xFFFF  }
0xbf: {  	[dreg:$0x0] =	wrdreg $0xFFFFFFFF;
	(pc) =	sbr.abs _section_cstart, $3  }
0xc0: {  	[dreg:$0x1] =	wrdreg $0xFFFFFFFF  }
0xc1: {  	_ =	task.clear_ibuf [dreg:s7], $0x2FFFF;
	_ =	strace $0x9FFFFFFF  }
0xc2: {  	(tm) =	ssettm $0x7FFFFFFF  }
0xc3: {  	_ =	shalt  }
tec
execute0_lowered:
.L_overlay_start_1:
0x0: {  	(tag) =	ssettag $0x1  }
0x1: {  	s1 =	srdreg.scid;
	s0 =	stileid.u32  }
0x2: {  	s4 =	rddreg [dreg:$0x0];
	s5 =	sand.u32 $0x1, s1;
	s30 =	sshll.u32 s0, $0x1  }
0x3: {  	s2 =	rddreg [dreg:$0x1];
	s3 =	simm.s32 $0x0;
	s6 =	sor.u32 s5, s30  }
0x4: {  	s9 =	simm.s32 $0x1;
	s10 =	simm.s32 $0x1980;
	s7 =	smul.u32 $0x24, s6  }
0x5: {  	s11 =	simm.s32 $0x0;
	[smem:$0x7FF] =	sst s3;
	s6 =	smul.u32 $0x2D0, s6  }
0x6: {  	s1 =	rddreg [dreg:$0x2];
	_ =	strace $0x80000047;
	s5 =	ssub.s32 $0x2, s5  }
0x7: {  	s31 =	sshrl.u32 s5, $0x1;
	s7 =	sadd.s32 s7, s4;
	s6 =	sadd.s32 s6, s4  }
0x8: {  	s8 =	ssub.s32 s5, s31;
	s4 =	sadd.s32 $0x400, s7;
	s5 =	sadd.s32 $0xA00, s6  }
0x9: {  	v0 =	vlaneseq.u32;
	s6 =	smax.u32 s8, $0x1;
	s7 =	simm.s32 $0x2;
	s8 =	simm.s32 $0x80  }
.LBB2_1:
0xa: {  	s12 =	simm.s32 $0x0  }
0xb: {  	v1 =	vor.u32 s12, v0  }
0xc: {  	v2 =	vmulhi.u32 $0xCCCCCCCD, v1;
	_ =	sdelay $0x1  }
0xd: {  	v2 =	vshrl.u32 v2, $0x4  }
0xe: {  	[tilespmem:s3], [sflag:$0x2] =	stream.linear.gather [hbm4b:s4+s3], $0x120, $0x38;
	[tilespmem:$0x3000] =	vst v63  }
0xf: {  	_ =	swait.ge [sflag:s7], $0x120  }
0x10: {  	s23 =	simm.s32 $0x10;
	[sflag:s7] =	ssyncset.done $0x0  }
0x11: {  	v3 =	vor.u32 s23, v0;
	[sflag:s7] =	ssyncadd.s32 $0xFFFFFEE0  }
0x12: {  	v5 =	vmulhi.u32 $0xCCCCCCCD, v3;
	v4 =	vmul.u32 $0xFFFFFFEC, v2;
	v2 =	vld.idx.msk [tilespmem:v2+s3+$0x0], $0xffff;
	_ =	sdelay $0x1  }
0x13: {  	v49 =	vshrl.u32 v5, $0x4;
	v1 =	vadd.s32 v1, v4  }
0x14: {  	v1 =	vmul.u32 $0x186A0, v1;
	_ =	sdelay $0x1  }
0x15: {  	s14 =	simm.s32 $0x180;
	s24 =	simm.s32 $0x20;
	v1 =	vadd.s32 v1, v2  }
0x16: {  	[tilespmem:s14+$0x0] =	vst v1;
	v1 =	vor.u32 s24, v0  }
0x17: {  	v2 =	vmul.u32 $0xFFFFFFEC, v49;
	v4 =	vld.idx.msk [tilespmem:v49+s3+$0x0], $0xffff;
	v50 =	vmulhi.u32 $0xCCCCCCCD, v1;
	_ =	sdelay $0x1  }
0x18: {  	v2 =	vadd.s32 v3, v2;
	v3 =	vshrl.u32 v50, $0x4  }
0x19: {  	v2 =	vmul.u32 $0x186A0, v2;
	_ =	sdelay $0x1  }
0x1a: {  	s25 =	simm.s32 $0x30;
	v2 =	vadd.s32 v2, v4  }
0x1b: {  	[tilespmem:s14+$0x10] =	vst v2;
	v2 =	vor.u32 s25, v0  }
0x1c: {  	v51 =	vmul.u32 $0xFFFFFFEC, v3;
	v3 =	vld.idx.msk [tilespmem:v3+s3+$0x0], $0xffff;
	v52 =	vmulhi.u32 $0xCCCCCCCD, v2;
	_ =	sdelay $0x1  }
0x1d: {  	v1 =	vadd.s32 v1, v51;
	v53 =	vshrl.u32 v52, $0x4  }
0x1e: {  	v1 =	vmul.u32 $0x186A0, v1;
	_ =	sdelay $0x1  }
0x1f: {  	s26 =	simm.s32 $0x40;
	v1 =	vadd.s32 v1, v3  }
0x20: {  	[tilespmem:s14+$0x20] =	vst v1;
	v1 =	vor.u32 s26, v0  }
0x21: {  	v3 =	vmul.u32 $0xFFFFFFEC, v53;
	v4 =	vld.idx.msk [tilespmem:v53+s3+$0x0], $0xffff;
	v54 =	vmulhi.u32 $0xCCCCCCCD, v1;
	_ =	sdelay $0x1  }
0x22: {  	v2 =	vadd.s32 v2, v3;
	v3 =	vshrl.u32 v54, $0x4  }
0x23: {  	v2 =	vmul.u32 $0x186A0, v2;
	_ =	sdelay $0x1  }
0x24: {  	s28 =	simm.s32 $0x50;
	v2 =	vadd.s32 v2, v4  }
0x25: {  	[tilespmem:s14+$0x30] =	vst v2;
	v2 =	vor.u32 s28, v0  }
0x26: {  	v55 =	vmul.u32 $0xFFFFFFEC, v3;
	v3 =	vld.idx.msk [tilespmem:v3+s3+$0x0], $0xffff;
	v56 =	vmulhi.u32 $0xCCCCCCCD, v2;
	_ =	sdelay $0x1  }
0x27: {  	v1 =	vadd.s32 v1, v55;
	v57 =	vshrl.u32 v56, $0x4  }
0x28: {  	v1 =	vmul.u32 $0x186A0, v1;
	_ =	sdelay $0x1  }
0x29: {  	s29 =	simm.s32 $0x60;
	v1 =	vadd.s32 v1, v3  }
0x2a: {  	[tilespmem:s14+$0x40] =	vst v1;
	v1 =	vor.u32 s29, v0  }
0x2b: {  	v3 =	vmul.u32 $0xFFFFFFEC, v57;
	v4 =	vld.idx.msk [tilespmem:v57+s3+$0x0], $0xffff;
	v58 =	vmulhi.u32 $0xCCCCCCCD, v1;
	_ =	sdelay $0x1  }
0x2c: {  	v2 =	vadd.s32 v2, v3;
	v3 =	vshrl.u32 v58, $0x4  }
0x2d: {  	v2 =	vmul.u32 $0x186A0, v2;
	_ =	sdelay $0x1  }
0x2e: {  	s30 =	simm.s32 $0x70;
	v2 =	vadd.s32 v2, v4  }
0x2f: {  	[tilespmem:s14+$0x50] =	vst v2;
	v2 =	vor.u32 s30, v0  }
0x30: {  	v59 =	vmul.u32 $0xFFFFFFEC, v3;
	v3 =	vld.idx.msk [tilespmem:v3+s3+$0x0], $0xffff;
	v60 =	vmulhi.u32 $0xCCCCCCCD, v2;
	_ =	sdelay $0x1  }
0x31: {  	v1 =	vadd.s32 v1, v59;
	v61 =	vshrl.u32 v60, $0x4  }
0x32: {  	v1 =	vmul.u32 $0x186A0, v1;
	_ =	sdelay $0x1  }
0x33: {  	v1 =	vadd.s32 v1, v3  }
0x34: {  	s31 =	simm.s32 $0x80;
	[tilespmem:s14+$0x60] =	vst v1  }
0x35: {  	v62 =	vor.u32 s31, v0;
	v1 =	vmul.u32 $0xFFFFFFEC, v61;
	v3 =	vld.idx.msk [tilespmem:v61+s3+$0x0], $0xffff  }
0x36: {  	v63 =	vmulhi.u32 $0xCCCCCCCD, v62  }
0x37: {  	v1 =	vadd.s32 v2, v1  }
0x38: {  	v2 =	vshrl.u32 v63, $0x4;
	v1 =	vmul.u32 $0x186A0, v1  }
0x39: {  	v5 =	vmul.u32 $0xFFFFFFEC, v2  }
0x3a: {  	s15 =	simm.s32 $0xF0;
	s16 =	simm.s32 $0x170;
	s18 =	simm.s32 $0x90;
	v3 =	vadd.s32 v1, v3  }
0x3b: {  	s13 =	simm.s32 $0x200;
	s17 =	simm.s32 $0x1980;
	s12 =	simm.s32 $0x1A00;
	v1 =	vadd.s32 v62, v5;
	[tilespmem:s14+$0x70] =	vst v3  }
.LBB2_2:
0x3c: {  	[tilespmem:s17], [sflag:$0x1] =	stream.indirect.gather [hbm4b:s2+s8], $0x1, s14, s8, $0xb8;
	[tilespmem:$0x3000] =	vst v63  }
0x3d: {  	p0 =	sne.s32 s16, $0x1670;
	v3 =	vor.u32 s18, v0;
	s18 =	smov.u32 s16;
	s16 =	sadd.s32 $0x80, s16;
	v2 =	vld.idx.msk [tilespmem:v2+s3+$0x0], $0xffff  }
0x3e: {  	s17 =	smov.u32 s12;
	s14 =	smov.u32 s13;
	v4 =	vmulhi.u32 $0xCCCCCCCD, v3;
	_ =	sdelay $0x1  }
0x3f: {  	v4 =	vshrl.u32 v4, $0x4  }
0x40: {  	v1 =	vmul.u32 $0x186A0, v1;
	v5 =	vmul.u32 $0xFFFFFFEC, v4;
	_ =	sdelay $0x1  }
0x41: {  	v1 =	vadd.s32 v1, v2;
	v2 =	vadd.s32 v3, v5  }
0x42: {  	s19 =	sadd.s32 $0xFFFFFFB0, s15;
	[tilespmem:s13+$0x0] =	vst v1  }
0x43: {  	v3 =	vor.u32 s19, v0;
	v1 =	vld.idx.msk [tilespmem:v4+s3+$0x0], $0xffff  }
0x44: {  	v4 =	vmulhi.u32 $0xCCCCCCCD, v3;
	_ =	sdelay $0x1  }
0x45: {  	v4 =	vshrl.u32 v4, $0x4  }
0x46: {  	v2 =	vmul.u32 $0x186A0, v2;
	v5 =	vmul.u32 $0xFFFFFFEC, v4;
	_ =	sdelay $0x1  }
0x47: {  	v1 =	vadd.s32 v2, v1;
	v2 =	vadd.s32 v3, v5  }
0x48: {  	s19 =	sadd.s32 $0xFFFFFFC0, s15;
	[tilespmem:s13+$0x10] =	vst v1  }
0x49: {  	v3 =	vor.u32 s19, v0;
	v1 =	vld.idx.msk [tilespmem:v4+s3+$0x0], $0xffff  }
0x4a: {  	v4 =	vmulhi.u32 $0xCCCCCCCD, v3;
	_ =	sdelay $0x1  }
0x4b: {  	v4 =	vshrl.u32 v4, $0x4  }
0x4c: {  	v2 =	vmul.u32 $0x186A0, v2;
	v5 =	vmul.u32 $0xFFFFFFEC, v4;
	_ =	sdelay $0x1  }
0x4d: {  	v1 =	vadd.s32 v2, v1;
	v2 =	vadd.s32 v3, v5  }
0x4e: {  	s19 =	sadd.s32 $0xFFFFFFD0, s15;
	[tilespmem:s13+$0x20] =	vst v1  }
0x4f: {  	v3 =	vor.u32 s19, v0;
	v1 =	vld.idx.msk [tilespmem:v4+s3+$0x0], $0xffff  }
0x50: {  	v4 =	vmulhi.u32 $0xCCCCCCCD, v3;
	_ =	sdelay $0x1  }
0x51: {  	v4 =	vshrl.u32 v4, $0x4  }
0x52: {  	v2 =	vmul.u32 $0x186A0, v2;
	v5 =	vmul.u32 $0xFFFFFFEC, v4;
	_ =	sdelay $0x1  }
0x53: {  	v1 =	vadd.s32 v2, v1;
	v2 =	vadd.s32 v3, v5  }
0x54: {  	s19 =	sadd.s32 $0xFFFFFFE0, s15;
	[tilespmem:s13+$0x30] =	vst v1  }
0x55: {  	v3 =	vor.u32 s19, v0;
	v1 =	vld.idx.msk [tilespmem:v4+s3+$0x0], $0xffff  }
0x56: {  	v4 =	vmulhi.u32 $0xCCCCCCCD, v3;
	_ =	sdelay $0x1  }
0x57: {  	v4 =	vshrl.u32 v4, $0x4  }
0x58: {  	v2 =	vmul.u32 $0x186A0, v2;
	v5 =	vmul.u32 $0xFFFFFFEC, v4;
	_ =	sdelay $0x1  }
0x59: {  	v1 =	vadd.s32 v2, v1;
	v2 =	vadd.s32 v3, v5  }
0x5a: {  	s19 =	sadd.s32 $0xFFFFFFF0, s15;
	[tilespmem:s13+$0x40] =	vst v1  }
0x5b: {  	v3 =	vor.u32 s19, v0;
	v1 =	vld.idx.msk [tilespmem:v4+s3+$0x0], $0xffff  }
0x5c: {  	v4 =	vmulhi.u32 $0xCCCCCCCD, v3;
	_ =	sdelay $0x1  }
0x5d: {  	v4 =	vshrl.u32 v4, $0x4  }
0x5e: {  	v2 =	vmul.u32 $0x186A0, v2;
	v5 =	vmul.u32 $0xFFFFFFEC, v4;
	_ =	sdelay $0x1  }
0x5f: {  	v1 =	vadd.s32 v2, v1;
	v2 =	vadd.s32 v3, v5  }
0x60: {  	[tilespmem:s13+$0x50] =	vst v1  }
0x61: {  	v3 =	vor.u32 s15, v0;
	s15 =	smov.u32 s18;
	v1 =	vld.idx.msk [tilespmem:v4+s3+$0x0], $0xffff  }
0x62: {  	v4 =	vmulhi.u32 $0xCCCCCCCD, v3;
	_ =	sdelay $0x1  }
0x63: {  	v4 =	vshrl.u32 v4, $0x4  }
0x64: {  	v2 =	vmul.u32 $0x186A0, v2;
	v5 =	vmul.u32 $0xFFFFFFEC, v4;
	_ =	sdelay $0x1  }
0x65: {  	v1 =	vadd.s32 v2, v1;
	v3 =	vadd.s32 v3, v5  }
0x66: {  	[tilespmem:s13+$0x60] =	vst v1  }
0x67: {  	s18 =	sadd.s32 $0xFFFFFF90, s15;
	v1 =	vld.idx.msk [tilespmem:v4+s3+$0x0], $0xffff  }
0x68: {  	v4 =	vor.u32 s18, v0  }
0x69: {  	v2 =	vmulhi.u32 $0xCCCCCCCD, v4  }
.Ltmp0:
0x6a: {  	(pc) =	sbr.rel @p0 .LBB2_2-.Ltmp0, $4  }
0x6b: {  	v3 =	vmul.u32 $0x186A0, v3;
	v2 =	vshrl.u32 v2, $0x4  }
0x6c: {  	v5 =	vmul.u32 $0xFFFFFFEC, v2  }
0x6d: {  	v3 =	vadd.s32 v3, v1  }
0x6e: {  	s12 =	sadd.s32 $0x80, s12;
	s13 =	sadd.s32 $0x80, s13;
	s18 =	sadd.s32 $0xFFFFFFA0, s15;
	v1 =	vadd.s32 v4, v5;
	[tilespmem:s14+$0x70] =	vst v3  }
0x6f: {  	_ =	sdelay $0x2  }
0x70: {  	[tilespmem:s17], [sflag:$0x1] =	stream.indirect.gather [hbm4b:s2+s8], $0x1, s14, s8, $0xb8;
	v3 =	vor.u32 s18, v0;
	[tilespmem:$0x3000] =	vst v63  }
0x71: {  	v2 =	vld.idx.msk [tilespmem:v2+s3+$0x0], $0xffff;
	v4 =	vmulhi.u32 $0xCCCCCCCD, v3;
	_ =	sdelay $0x1  }
0x72: {  	v4 =	vshrl.u32 v4, $0x4  }
0x73: {  	v1 =	vmul.u32 $0x186A0, v1;
	_ =	sdelay $0x1  }
0x74: {  	s26 =	sadd.s32 $0xFFFFFFB0, s15;
	v1 =	vadd.s32 v1, v2  }
0x75: {  	[tilespmem:s13+$0x0] =	vst v1;
	v1 =	vor.u32 s26, v0  }
0x76: {  	v2 =	vmul.u32 $0xFFFFFFEC, v4;
	v4 =	vld.idx.msk [tilespmem:v4+s3+$0x0], $0xffff;
	v5 =	vmulhi.u32 $0xCCCCCCCD, v1;
	_ =	sdelay $0x1  }
0x77: {  	v2 =	vadd.s32 v3, v2;
	v3 =	vshrl.u32 v5, $0x4  }
0x78: {  	v2 =	vmul.u32 $0x186A0, v2;
	_ =	sdelay $0x1  }
0x79: {  	s28 =	sadd.s32 $0xFFFFFFC0, s15;
	v2 =	vadd.s32 v2, v4  }
0x7a: {  	[tilespmem:s13+$0x10] =	vst v2;
	v2 =	vor.u32 s28, v0  }
0x7b: {  	v53 =	vmul.u32 $0xFFFFFFEC, v3;
	v3 =	vld.idx.msk [tilespmem:v3+s3+$0x0], $0xffff;
	v54 =	vmulhi.u32 $0xCCCCCCCD, v2;
	_ =	sdelay $0x1  }
0x7c: {  	v1 =	vadd.s32 v1, v53;
	v55 =	vshrl.u32 v54, $0x4  }
0x7d: {  	v1 =	vmul.u32 $0x186A0, v1;
	_ =	sdelay $0x1  }
0x7e: {  	s29 =	sadd.s32 $0xFFFFFFD0, s15;
	v1 =	vadd.s32 v1, v3  }
0x7f: {  	[tilespmem:s13+$0x20] =	vst v1;
	v1 =	vor.u32 s29, v0  }
0x80: {  	v3 =	vmul.u32 $0xFFFFFFEC, v55;
	v4 =	vld.idx.msk [tilespmem:v55+s3+$0x0], $0xffff;
	v56 =	vmulhi.u32 $0xCCCCCCCD, v1;
	_ =	sdelay $0x1  }
0x81: {  	v2 =	vadd.s32 v2, v3;
	v3 =	vshrl.u32 v56, $0x4  }
0x82: {  	v2 =	vmul.u32 $0x186A0, v2;
	_ =	sdelay $0x1  }
0x83: {  	s30 =	sadd.s32 $0xFFFFFFE0, s15;
	v2 =	vadd.s32 v2, v4  }
0x84: {  	[tilespmem:s13+$0x30] =	vst v2;
	v2 =	vor.u32 s30, v0  }
0x85: {  	v57 =	vmul.u32 $0xFFFFFFEC, v3;
	v3 =	vld.idx.msk [tilespmem:v3+s3+$0x0], $0xffff;
	v58 =	vmulhi.u32 $0xCCCCCCCD, v2;
	_ =	sdelay $0x1  }
0x86: {  	v1 =	vadd.s32 v1, v57;
	v59 =	vshrl.u32 v58, $0x4  }
0x87: {  	v1 =	vmul.u32 $0x186A0, v1;
	_ =	sdelay $0x1  }
0x88: {  	s31 =	sadd.s32 $0xFFFFFFF0, s15;
	v1 =	vadd.s32 v1, v3  }
0x89: {  	[tilespmem:s13+$0x40] =	vst v1;
	v1 =	vor.u32 s31, v0  }
0x8a: {  	v3 =	vmul.u32 $0xFFFFFFEC, v59;
	v4 =	vld.idx.msk [tilespmem:v59+s3+$0x0], $0xffff;
	v60 =	vmulhi.u32 $0xCCCCCCCD, v1;
	_ =	sdelay $0x1  }
0x8b: {  	v2 =	vadd.s32 v2, v3;
	v3 =	vshrl.u32 v60, $0x4  }
0x8c: {  	v2 =	vmul.u32 $0x186A0, v2;
	_ =	sdelay $0x1  }
0x8d: {  	v2 =	vadd.s32 v2, v4  }
0x8e: {  	[tilespmem:s13+$0x50] =	vst v2;
	v2 =	vor.u32 s15, v0  }
0x8f: {  	v61 =	vmul.u32 $0xFFFFFFEC, v3;
	v3 =	vld.idx.msk [tilespmem:v3+s3+$0x0], $0xffff;
	v62 =	vmulhi.u32 $0xCCCCCCCD, v2;
	_ =	sdelay $0x1  }
0x90: {  	v1 =	vadd.s32 v1, v61;
	v63 =	vshrl.u32 v62, $0x4  }
0x91: {  	v1 =	vmul.u32 $0x186A0, v1;
	_ =	sdelay $0x1  }
0x92: {  	v1 =	vadd.s32 v1, v3  }
0x93: {  	[tilespmem:s13+$0x60] =	vst v1  }
0x94: {  	v1 =	vmul.u32 $0xFFFFFFEC, v63;
	v3 =	vld.idx.msk [tilespmem:v63+s3+$0x0], $0xffff;
	_ =	sdelay $0x1  }
0x95: {  	v1 =	vadd.s32 v2, v1  }
0x96: {  	v1 =	vmul.u32 $0x186A0, v1;
	_ =	sdelay $0x1  }
0x97: {  	v1 =	vadd.s32 v1, v3  }
0x98: {  	[tilespmem:s13+$0x70] =	vst v1  }
0x99: {  	[tilespmem:s12], [sflag:$0x1] =	stream.indirect.gather [hbm4b:s2+s8], $0x1, s13, s8, $0xb8;
	[tilespmem:$0x3000] =	vst v63  }
0x9a: {  	s11 =	sadd.s32 $0x1, s11;
	_ =	swait.ge [sflag:s9], $0x1680  }
0x9b: {  	p0 =	sne.s32 s11, s6;
	[sflag:s9] =	ssyncset.done $0x0  }
.Ltmp1:
0x9c: {  	[sflag:s9] =	ssyncadd.s32 $0xFFFFE980;
	(pc) =	sbr.rel @p0 .LBB2_1-.Ltmp1, $4  }
0x9d: {  	[hbm4b:s5+s3] =	stream.linear.scatter [tilespmem:s10], [sflag:$0x2], $0x1680, $0x38;
	[tilespmem:$0x3000] =	vst v63  }
0x9e: {  	_ =	swait.ge [sflag:s7], $0x1680  }
0x9f: {  	[sflag:s7] =	ssyncset.done $0x0  }
0xa0: {  	[sflag:s7] =	ssyncadd.s32 $0xFFFFE980  }
0xa1: {  	_ =	sfence.sel $0x180000  }
0xa2: {  	[bflag:$0x0] =	sbarrier.arrive $0xFFFF  }
0xa3: {  	p0 =	sne.s32 s0, $0x0;
	_ =	strace $0x90000047  }
0xa4: {  	s0 =	sadd.s32 @!p0 $0x100000, s1;
	[bflag:$0x2] =	sbarrier.arrive $0xFFFF  }
0xa5: {  	[sflag:s0] =	ssyncadd.tile.s32 @!p0 $0x1;
	_ =	shalt  }
.Lfunc_end2:
_tile_overlayer_lowered:
.L_overlay_start_2:
0xa6: {  	(tag) =	ssettag $0x2  }
0xa7: {  	s0 =	rddreg [dreg:$0x0];
	s2 =	stileid.u32  }
0xa8: {  	s1 =	rddreg [dreg:$0x1];
	p0 =	sne.s32 s2, $0x0  }
0xa9: {  	s3 =	rddreg [dreg:$0x2];
	[bflag:$0x3] =	sbarrier.arrive $0xFFFF;
	s2 =	simm.s32 @!p0 $0x1C02  }
0xaa: {  	[timem:s3], [sflag:s2] =	dma.local @!p0 [hbm:s0], s1  }
0xab: {  	s0 =	simm.s32 @!p0 $0x2  }
0xac: {  	_ =	swait.ge @!p0 [sflag:s0], s1  }
0xad: {  	s1 =	ssub.s32 @!p0 $0x0, s1;
	[sflag:s0] =	ssyncset.done @!p0 $0x0  }
0xae: {  	[sflag:s0] =	ssyncadd.s32 @!p0 s1  }
0xaf: {  	[bflag:$0x3] =	sbarrier.arrive $0xFFFF  }
0xb0: {  	_ =	shalt  }

</sc_bundles>
